<compile_context>
chip_gen: v7x
topology: tpu7x:2x2x1
jax: 0.10.2.dev20260603
libtpu: 0.0.44.dev20260713+nightly
codegen_flags: <defaults>
</compile_context>

<pallas_src>
import functools

import jax
import jax.numpy as jnp
from jax import lax
from jax.experimental import pallas as pl
from jax.experimental.pallas import tpu as pltpu
from jax.experimental.pallas import tpu_sc as plsc

B = 16384
EMB = 16
SUB = 128 // EMB
NC, NS = 2, 16
NW = NC * NS
B_PER_W = B // NW
CH = 8192


S8 = CH // SUB


def _repack_body(rows, in_ref, eye_ref, o_ref):
    x = in_ref[...]
    valid = rows - pl.program_id(0) * CH
    lane = lax.broadcasted_iota(jnp.int32, (EMB, CH), 1)
    x = jnp.where(lane < valid, x, 0.0)
    acc = jnp.zeros((128, S8), jnp.float32)
    for ul in range(SUB):
        acc += lax.dot_general(
            eye_ref[:, EMB * ul:EMB * (ul + 1)],
            x[:, ul * S8:(ul + 1) * S8],
            (((1,), (0,)), ((), ())),
            preferred_element_type=jnp.float32,
        )
    o_ref[...] = acc.T


def _repack(table_t, eye128):
    rows = table_t.shape[1]
    grid = (rows + CH - 1) // CH
    return pl.pallas_call(
        functools.partial(_repack_body, rows),
        grid=(grid,),
        in_specs=[
            pl.BlockSpec((EMB, CH), lambda i: (0, i)),
            pl.BlockSpec((128, 128), lambda i: (0, 0)),
        ],
        out_specs=pl.BlockSpec((S8, 128), lambda i: (i, 0)),
        out_shape=jax.ShapeDtypeStruct((grid * S8, 128), jnp.float32),
        compiler_params=pltpu.CompilerParams(
            dimension_semantics=("parallel",),
            fuse_transposed_lhs_in_matmul=True),
    )(table_t, eye128)


def _sc_gather(uid_super, mid_super, user_sup, movie_sup):
    mesh = plsc.VectorSubcoreMesh(core_axis_name="c", subcore_axis_name="s")

    @functools.partial(
        pl.kernel,
        mesh=mesh,
        out_type=[
            jax.ShapeDtypeStruct((B, 128), jnp.float32),
            jax.ShapeDtypeStruct((B, 128), jnp.float32),
        ],
        scratch_types=[
            pltpu.VMEM((B_PER_W,), jnp.int32),
            pltpu.VMEM((B_PER_W, 128), jnp.float32),
            pltpu.SemaphoreType.DMA,
        ],
    )
    def gather_kernel(uid_hbm, mid_hbm, ut_hbm, mt_hbm, ue_hbm, me_hbm,
                      idx_v, rows_v, sem):
        wid = lax.axis_index("s") * NC + lax.axis_index("c")
        base = wid * B_PER_W
        pltpu.sync_copy(uid_hbm.at[pl.ds(base, B_PER_W)], idx_v)
        pltpu.async_copy(ut_hbm.at[idx_v], rows_v, sem).wait()
        pltpu.sync_copy(rows_v, ue_hbm.at[pl.ds(base, B_PER_W)])
        pltpu.sync_copy(mid_hbm.at[pl.ds(base, B_PER_W)], idx_v)
        pltpu.async_copy(mt_hbm.at[idx_v], rows_v, sem).wait()
        pltpu.sync_copy(rows_v, me_hbm.at[pl.ds(base, B_PER_W)])

    return gather_kernel(uid_super, mid_super, user_sup, movie_sup)


def _mlp_body(u_ref, m_ref, usub_ref, msub_ref, w1u_ref, w1m_ref, b1_ref,
              w2t_ref, b2_ref, w3t_ref, b3_ref, o_ref):
    blk = u_ref.shape[0]
    lane_group = lax.broadcasted_iota(jnp.int32, (blk, 128), 1) // EMB
    u_masked = jnp.where(lane_group == usub_ref[...], u_ref[...], 0.0)
    m_masked = jnp.where(lane_group == msub_ref[...], m_ref[...], 0.0)
    x1 = jnp.dot(u_masked, w1u_ref[...], preferred_element_type=jnp.float32)
    x1 += jnp.dot(m_masked, w1m_ref[...], preferred_element_type=jnp.float32)
    h1 = jnp.maximum(x1 + b1_ref[...], 0.0)
    h2 = jnp.maximum(
        jnp.dot(h1, w2t_ref[...], preferred_element_type=jnp.float32) + b2_ref[...],
        0.0,
    )
    o_ref[...] = (
        jnp.dot(h2, w3t_ref[...], preferred_element_type=jnp.float32) + b3_ref[...]
    )


def _tc_mlp(u_super, m_super, usub, msub, W1u8, W1m8, b1, W2t, b2, W3t, b3):
    blk = 4096
    grid = B // blk
    row_block = lambda i: (i, 0)
    full = lambda i: (0, 0)
    return pl.pallas_call(
        _mlp_body,
        grid=(grid,),
        in_specs=[
            pl.BlockSpec((blk, 128), row_block),
            pl.BlockSpec((blk, 128), row_block),
            pl.BlockSpec((blk, 1), row_block),
            pl.BlockSpec((blk, 1), row_block),
            pl.BlockSpec((128, 128), full),
            pl.BlockSpec((128, 128), full),
            pl.BlockSpec((1, 128), full),
            pl.BlockSpec((128, 64), full),
            pl.BlockSpec((1, 64), full),
            pl.BlockSpec((64, 1), full),
            pl.BlockSpec((1, 1), full),
        ],
        out_specs=pl.BlockSpec((blk, 1), row_block),
        out_shape=jax.ShapeDtypeStruct((B, 1), jnp.float32),
        compiler_params=pltpu.CompilerParams(
            dimension_semantics=("parallel",)),
    )(u_super, m_super, usub, msub, W1u8, W1m8, b1, W2t, b2, W3t, b3)


@jax.jit
def kernel(userId, movieId, user_table, movie_table, W1, b1, W2, b2, W3, b3):
    uid_super = (userId // CH) * S8 + (userId % S8)
    usub = ((userId % CH) // S8)[:, None]
    mid_super = (movieId // CH) * S8 + (movieId % S8)
    msub = ((movieId % CH) // S8)[:, None]
    eye128 = jnp.eye(128, dtype=jnp.float32)
    user_sup = _repack(user_table.T, eye128)
    movie_sup = _repack(movie_table.T, eye128)
    u_super, m_super = _sc_gather(uid_super, mid_super, user_sup, movie_sup)
    W1u8 = jnp.tile(W1[:, :EMB].T, (SUB, 1))
    W1m8 = jnp.tile(W1[:, EMB:].T, (SUB, 1))
    W2t = W2.T
    W3t = W3.T
    return _tc_mlp(u_super, m_super, usub, msub, W1u8, W1m8, b1[None, :],
                   W2t, b2[None, :], W3t, b3[None, :])

# --- scband reference (transcript-rebuilt; emitter-appended) ---
"""Pipeline reference for scband-net-36550171689369 (READ-ONLY COPY).

The authoritative reference and input builder live on the scoring server;
editing this copy changes nothing except your own understanding.
"""

import jax, jax.numpy as jnp
import numpy as np

NUM_USER = 1000000
NUM_MOVIE = 100000
EMB = 16
M = 128
B = 16384


def setup_inputs(seed: int = 0) -> dict:
    key = jax.random.key(seed)
    ks = jax.random.split(key, 12)
    userId = jax.random.randint(ks[0], (B,), 0, NUM_USER, dtype=jnp.int64 if jax.config.jax_enable_x64 else jnp.int32).astype(jnp.int32)
    movieId = jax.random.randint(ks[1], (B,), 0, NUM_MOVIE, dtype=jnp.int32)
    user_table = jax.random.normal(ks[2], (NUM_USER, EMB), dtype=jnp.float32)
    movie_table = jax.random.normal(ks[3], (NUM_MOVIE, EMB), dtype=jnp.float32)
    # Linear layers: PyTorch convention W[out, in], y = x @ W.T + b
    s1 = 1.0 / np.sqrt(EMB * 2)
    W1 = jax.random.uniform(ks[4], (M, EMB * 2), minval=-s1, maxval=s1, dtype=jnp.float32)
    b1 = jax.random.uniform(ks[5], (M,), minval=-s1, maxval=s1, dtype=jnp.float32)
    s2 = 1.0 / np.sqrt(M)
    W2 = jax.random.uniform(ks[6], (M // 2, M), minval=-s2, maxval=s2, dtype=jnp.float32)
    b2 = jax.random.uniform(ks[7], (M // 2,), minval=-s2, maxval=s2, dtype=jnp.float32)
    s3 = 1.0 / np.sqrt(M // 2)
    W3 = jax.random.uniform(ks[8], (1, M // 2), minval=-s3, maxval=s3, dtype=jnp.float32)
    b3 = jax.random.uniform(ks[9], (1,), minval=-s3, maxval=s3, dtype=jnp.float32)
    return {"userId": userId, "movieId": movieId,
            "user_table": user_table, "movie_table": movie_table,
            "W1": W1, "b1": b1, "W2": W2, "b2": b2, "W3": W3, "b3": b3}


def reference(userId, movieId, user_table, movie_table, W1, b1, W2, b2, W3, b3):
    # Embedding lookups (nn.Embedding -> gather)
    user_eb = jnp.take(user_table, userId, axis=0)
    movie_eb = jnp.take(movie_table, movieId, axis=0)
    x = jnp.concatenate([user_eb, movie_eb], axis=1)
    # Dropout layers are identity in eval/inference mode
    x = jax.nn.relu(x @ W1.T + b1)
    x = jax.nn.relu(x @ W2.T + b2)
    x = x @ W3.T + b3
    return x

if __name__ == "__main__":
    import jax
    _d = setup_inputs()
    print(jax.jit(kernel)(*tuple(_d.values())))

</pallas_src>

<mosaic_0001>
#map = affine_map<(d0, d1) -> (0)>
#map1 = affine_map<(d0, d1) -> (0, 0)>
module attributes {stable_mosaic.version = 14 : i64} {
  func.func @gather_kernel(%arg0: i32, %arg1: i32, %arg2: memref<16384xi32, #tpu.memory_space<hbm>>, %arg3: memref<16384xi32, #tpu.memory_space<hbm>>, %arg4: memref<125952x128xf32, #tpu.memory_space<hbm>>, %arg5: memref<13312x128xf32, #tpu.memory_space<hbm>>, %arg6: memref<16384x128xf32, #tpu.memory_space<hbm>>, %arg7: memref<16384x128xf32, #tpu.memory_space<hbm>>, %arg8: memref<512xi32, #tpu.memory_space<vmem>>, %arg9: memref<512x128xf32, #tpu.memory_space<vmem>>, %arg10: memref<!tpu.dma_semaphore, #tpu.memory_space<semaphore_mem>>) attributes {dimension_semantics = [#tpu.dimension_semantics<core_parallel>, #tpu.dimension_semantics<subcore_parallel>], iteration_bounds = array<i64: 2, 16>, scalar_prefetch = 0 : i64, scratch_operands = 3 : i64, tpu.core_type = #tpu.core_type<sc_vector_subcore>, window_params = [{transform_indices = #map}, {transform_indices = #map}, {transform_indices = #map1}, {transform_indices = #map1}, {transform_indices = #map1}, {transform_indices = #map1}]} {
    %mul3A = arith.constant 2 : i32
    %mul3A_0 = arith.muli %arg1, %mul3A : i32
    %add3A = arith.addi %mul3A_0, %arg0 : i32
    %mul3A_1 = arith.constant 512 : i32
    %mul3A_2 = arith.muli %add3A, %mul3A_1 : i32
    "tpu.region"() ({
      %run_scoped3A = tpu.sem_alloc : memref<!tpu.dma_semaphore, #tpu.memory_space<semaphore_mem>>
      %dma_start3A_13 = tpu.memref_slice %arg2[%mul3A_2] : memref<16384xi32, #tpu.memory_space<hbm>> -> memref<512xi32, #tpu.memory_space<hbm>>
      %dma_start3A_14 = tpu.memref_slice %arg2[%mul3A_2] : memref<16384xi32, #tpu.memory_space<hbm>> -> memref<512xi32, #tpu.memory_space<hbm>>
      tpu.enqueue_dma source(%dma_start3A_14 : memref<512xi32, #tpu.memory_space<hbm>>) target(%arg8 : memref<512xi32, #tpu.memory_space<vmem>>) target_semaphore(%run_scoped3A : memref<!tpu.dma_semaphore, #tpu.memory_space<semaphore_mem>>)
      %dma_wait3A_15 = tpu.memref_slice %arg2[%mul3A_2] : memref<16384xi32, #tpu.memory_space<hbm>> -> memref<512xi32, #tpu.memory_space<hbm>>
      %dma_wait3A_16 = tpu.memref_slice %arg2[%mul3A_2] : memref<16384xi32, #tpu.memory_space<hbm>> -> memref<512xi32, #tpu.memory_space<hbm>>
      tpu.wait_dma2 semaphore(%run_scoped3A : memref<!tpu.dma_semaphore, #tpu.memory_space<semaphore_mem>>) src(%dma_wait3A_16 : memref<512xi32, #tpu.memory_space<hbm>>) dst(%arg8 : memref<512xi32, #tpu.memory_space<vmem>>)
      tpu.yield
    }) : () -> ()
    %dma_start3A = arith.constant 0 : i32
    %dma_start3A_3 = arith.constant 0 : i32
    %dma_start3A_4 = tpu.memref_slice %arg4[%dma_start3A, %dma_start3A_3] : memref<125952x128xf32, #tpu.memory_space<hbm>> -> memref<125952x128xf32, #tpu.memory_space<hbm>>
    tpu.enqueue_indirect_dma source(%dma_start3A_4 : memref<125952x128xf32, #tpu.memory_space<hbm>>) target(%arg9 : memref<512x128xf32, #tpu.memory_space<vmem>>) offsets(%arg8 : memref<512xi32, #tpu.memory_space<vmem>>) semaphore(%arg10 : memref<!tpu.dma_semaphore, #tpu.memory_space<semaphore_mem>>)
    %dma_wait3A = arith.constant 0 : i32
    %dma_wait3A_5 = arith.constant 0 : i32
    %dma_wait3A_6 = tpu.memref_slice %arg4[%dma_wait3A, %dma_wait3A_5] : memref<125952x128xf32, #tpu.memory_space<hbm>> -> memref<125952x128xf32, #tpu.memory_space<hbm>>
    tpu.wait_indirect_dma semaphore(%arg10 : memref<!tpu.dma_semaphore, #tpu.memory_space<semaphore_mem>>) src(%dma_wait3A_6 : memref<125952x128xf32, #tpu.memory_space<hbm>>) dst(%arg9 : memref<512x128xf32, #tpu.memory_space<vmem>>)
    "tpu.region"() ({
      %run_scoped3A = tpu.sem_alloc : memref<!tpu.dma_semaphore, #tpu.memory_space<semaphore_mem>>
      %dma_start3A_13 = arith.constant 0 : i32
      %dma_start3A_14 = tpu.memref_slice %arg6[%mul3A_2, %dma_start3A_13] : memref<16384x128xf32, #tpu.memory_space<hbm>> -> memref<512x128xf32, #tpu.memory_space<hbm>>
      %dma_start3A_15 = arith.constant 0 : i32
      %dma_start3A_16 = tpu.memref_slice %arg6[%mul3A_2, %dma_start3A_15] : memref<16384x128xf32, #tpu.memory_space<hbm>> -> memref<512x128xf32, #tpu.memory_space<hbm>>
      tpu.enqueue_dma source(%arg9 : memref<512x128xf32, #tpu.memory_space<vmem>>) target(%dma_start3A_16 : memref<512x128xf32, #tpu.memory_space<hbm>>) target_semaphore(%run_scoped3A : memref<!tpu.dma_semaphore, #tpu.memory_space<semaphore_mem>>)
      %dma_wait3A_17 = arith.constant 0 : i32
      %dma_wait3A_18 = tpu.memref_slice %arg6[%mul3A_2, %dma_wait3A_17] : memref<16384x128xf32, #tpu.memory_space<hbm>> -> memref<512x128xf32, #tpu.memory_space<hbm>>
      %dma_wait3A_19 = arith.constant 0 : i32
      %dma_wait3A_20 = tpu.memref_slice %arg6[%mul3A_2, %dma_wait3A_19] : memref<16384x128xf32, #tpu.memory_space<hbm>> -> memref<512x128xf32, #tpu.memory_space<hbm>>
      tpu.wait_dma2 semaphore(%run_scoped3A : memref<!tpu.dma_semaphore, #tpu.memory_space<semaphore_mem>>) src(%arg9 : memref<512x128xf32, #tpu.memory_space<vmem>>) dst(%dma_wait3A_20 : memref<512x128xf32, #tpu.memory_space<hbm>>)
      tpu.yield
    }) : () -> ()
    "tpu.region"() ({
      %run_scoped3A = tpu.sem_alloc : memref<!tpu.dma_semaphore, #tpu.memory_space<semaphore_mem>>
      %dma_start3A_13 = tpu.memref_slice %arg3[%mul3A_2] : memref<16384xi32, #tpu.memory_space<hbm>> -> memref<512xi32, #tpu.memory_space<hbm>>
      %dma_start3A_14 = tpu.memref_slice %arg3[%mul3A_2] : memref<16384xi32, #tpu.memory_space<hbm>> -> memref<512xi32, #tpu.memory_space<hbm>>
      tpu.enqueue_dma source(%dma_start3A_14 : memref<512xi32, #tpu.memory_space<hbm>>) target(%arg8 : memref<512xi32, #tpu.memory_space<vmem>>) target_semaphore(%run_scoped3A : memref<!tpu.dma_semaphore, #tpu.memory_space<semaphore_mem>>)
      %dma_wait3A_15 = tpu.memref_slice %arg3[%mul3A_2] : memref<16384xi32, #tpu.memory_space<hbm>> -> memref<512xi32, #tpu.memory_space<hbm>>
      %dma_wait3A_16 = tpu.memref_slice %arg3[%mul3A_2] : memref<16384xi32, #tpu.memory_space<hbm>> -> memref<512xi32, #tpu.memory_space<hbm>>
      tpu.wait_dma2 semaphore(%run_scoped3A : memref<!tpu.dma_semaphore, #tpu.memory_space<semaphore_mem>>) src(%dma_wait3A_16 : memref<512xi32, #tpu.memory_space<hbm>>) dst(%arg8 : memref<512xi32, #tpu.memory_space<vmem>>)
      tpu.yield
    }) : () -> ()
    %dma_start3A_7 = arith.constant 0 : i32
    %dma_start3A_8 = arith.constant 0 : i32
    %dma_start3A_9 = tpu.memref_slice %arg5[%dma_start3A_7, %dma_start3A_8] : memref<13312x128xf32, #tpu.memory_space<hbm>> -> memref<13312x128xf32, #tpu.memory_space<hbm>>
    tpu.enqueue_indirect_dma source(%dma_start3A_9 : memref<13312x128xf32, #tpu.memory_space<hbm>>) target(%arg9 : memref<512x128xf32, #tpu.memory_space<vmem>>) offsets(%arg8 : memref<512xi32, #tpu.memory_space<vmem>>) semaphore(%arg10 : memref<!tpu.dma_semaphore, #tpu.memory_space<semaphore_mem>>)
    %dma_wait3A_10 = arith.constant 0 : i32
    %dma_wait3A_11 = arith.constant 0 : i32
    %dma_wait3A_12 = tpu.memref_slice %arg5[%dma_wait3A_10, %dma_wait3A_11] : memref<13312x128xf32, #tpu.memory_space<hbm>> -> memref<13312x128xf32, #tpu.memory_space<hbm>>
    tpu.wait_indirect_dma semaphore(%arg10 : memref<!tpu.dma_semaphore, #tpu.memory_space<semaphore_mem>>) src(%dma_wait3A_12 : memref<13312x128xf32, #tpu.memory_space<hbm>>) dst(%arg9 : memref<512x128xf32, #tpu.memory_space<vmem>>)
    "tpu.region"() ({
      %run_scoped3A = tpu.sem_alloc : memref<!tpu.dma_semaphore, #tpu.memory_space<semaphore_mem>>
      %dma_start3A_13 = arith.constant 0 : i32
      %dma_start3A_14 = tpu.memref_slice %arg7[%mul3A_2, %dma_start3A_13] : memref<16384x128xf32, #tpu.memory_space<hbm>> -> memref<512x128xf32, #tpu.memory_space<hbm>>
      %dma_start3A_15 = arith.constant 0 : i32
      %dma_start3A_16 = tpu.memref_slice %arg7[%mul3A_2, %dma_start3A_15] : memref<16384x128xf32, #tpu.memory_space<hbm>> -> memref<512x128xf32, #tpu.memory_space<hbm>>
      tpu.enqueue_dma source(%arg9 : memref<512x128xf32, #tpu.memory_space<vmem>>) target(%dma_start3A_16 : memref<512x128xf32, #tpu.memory_space<hbm>>) target_semaphore(%run_scoped3A : memref<!tpu.dma_semaphore, #tpu.memory_space<semaphore_mem>>)
      %dma_wait3A_17 = arith.constant 0 : i32
      %dma_wait3A_18 = tpu.memref_slice %arg7[%mul3A_2, %dma_wait3A_17] : memref<16384x128xf32, #tpu.memory_space<hbm>> -> memref<512x128xf32, #tpu.memory_space<hbm>>
      %dma_wait3A_19 = arith.constant 0 : i32
      %dma_wait3A_20 = tpu.memref_slice %arg7[%mul3A_2, %dma_wait3A_19] : memref<16384x128xf32, #tpu.memory_space<hbm>> -> memref<512x128xf32, #tpu.memory_space<hbm>>
      tpu.wait_dma2 semaphore(%run_scoped3A : memref<!tpu.dma_semaphore, #tpu.memory_space<semaphore_mem>>) src(%arg9 : memref<512x128xf32, #tpu.memory_space<vmem>>) dst(%dma_wait3A_20 : memref<512x128xf32, #tpu.memory_space<hbm>>)
      tpu.yield
    }) : () -> ()
    return
  }
}

module attributes {stable_mosaic.version = 14 : i64} {
  func.func @_repack_body(%arg0: i32, %arg1: memref<16x8192xf32, #tpu.memory_space<vmem>>, %arg2: memref<128x128xf32, #tpu.memory_space<vmem>>, %arg3: memref<1024x128xf32, #tpu.memory_space<vmem>>) attributes {dimension_semantics = [#tpu.dimension_semantics<parallel>], iteration_bounds = array<i64: 123>, scalar_prefetch = 0 : i64, scratch_operands = 0 : i64, tpu.core_type = #tpu.core_type<tc>, window_params = [{transform_indices = @transform_0, window_bounds = array<i64: 16, 8192>}, {pipeline_mode = #tpu.pipeline_mode<synchronous>, transform_indices = @transform_1, window_bounds = array<i64: 128, 128>}, {transform_indices = @transform_2, window_bounds = array<i64: 1024, 128>}]} {
    %get3A = arith.constant 0 : index
    %get3A_0 = arith.constant 0 : index
    %get3A_1 = vector.load %arg1[%get3A, %get3A_0] : memref<16x8192xf32, #tpu.memory_space<vmem>>, vector<16x8192xf32>
    %mul3A = arith.constant 8192 : i32
    %mul3A_2 = arith.muli %arg0, %mul3A : i32
    %sub3A = arith.constant 1000000 : i32
    %sub3A_3 = arith.subi %sub3A, %mul3A_2 : i32
    %iota3A = tpu.iota {dimensions = array<i32: 1>} : vector<16x8192xi32>
    %lt3A = vector.broadcast %sub3A_3 : i32 to vector<16x8192xi32>
    %lt3A_4 = arith.cmpi slt, %iota3A, %lt3A : vector<16x8192xi32>
    %jit3A = arith.constant 0.000000e+00 : f32
    %broadcast_in_dim3A = vector.broadcast %jit3A : f32 to vector<16x8192xf32>
    %select_n3A = arith.select %lt3A_4, %get3A_1, %broadcast_in_dim3A : vector<16x8192xi1>, vector<16x8192xf32>
    %broadcast_in_dim3A_5 = arith.constant 0.000000e+00 : f32
    %broadcast_in_dim3A_6 = vector.broadcast %broadcast_in_dim3A_5 : f32 to vector<128x1024xf32>
    %get3A_7 = arith.constant 0 : index
    %get3A_8 = arith.constant 0 : index
    %get3A_9 = vector.load %arg2[%get3A_7, %get3A_8] : memref<128x128xf32, #tpu.memory_space<vmem>>, vector<128x16xf32>
    %slice3A = vector.extract_strided_slice %select_n3A {offsets = [0, 0], sizes = [16, 1024], strides = [1, 1]} : vector<16x8192xf32> to vector<16x1024xf32>
    %dot_general3A = arith.constant dense<0.000000e+00> : vector<128x1024xf32>
    %dot_general3A_10 = tpu.matmul %get3A_9, %slice3A, %dot_general3A {dimension_numbers = #tpu.dot_dimension_numbers<[1], [0], [0], [1], [0, 0, 1, 1], [], []>, transpose_lhs_hint = false} : vector<128x16xf32>, vector<16x1024xf32>, vector<128x1024xf32> -> vector<128x1024xf32>
    %add3A = arith.addf %broadcast_in_dim3A_6, %dot_general3A_10 : vector<128x1024xf32>
    %get3A_11 = arith.constant 0 : index
    %get3A_12 = arith.constant 16 : index
    %get3A_13 = vector.load %arg2[%get3A_11, %get3A_12] : memref<128x128xf32, #tpu.memory_space<vmem>>, vector<128x16xf32>
    %slice3A_14 = vector.extract_strided_slice %select_n3A {offsets = [0, 1024], sizes = [16, 1024], strides = [1, 1]} : vector<16x8192xf32> to vector<16x1024xf32>
    %dot_general3A_15 = arith.constant dense<0.000000e+00> : vector<128x1024xf32>
    %dot_general3A_16 = tpu.matmul %get3A_13, %slice3A_14, %dot_general3A_15 {dimension_numbers = #tpu.dot_dimension_numbers<[1], [0], [0], [1], [0, 0, 1, 1], [], []>, transpose_lhs_hint = false} : vector<128x16xf32>, vector<16x1024xf32>, vector<128x1024xf32> -> vector<128x1024xf32>
    %add3A_17 = arith.addf %add3A, %dot_general3A_16 : vector<128x1024xf32>
    %get3A_18 = arith.constant 0 : index
    %get3A_19 = arith.constant 32 : index
    %get3A_20 = vector.load %arg2[%get3A_18, %get3A_19] : memref<128x128xf32, #tpu.memory_space<vmem>>, vector<128x16xf32>
    %slice3A_21 = vector.extract_strided_slice %select_n3A {offsets = [0, 2048], sizes = [16, 1024], strides = [1, 1]} : vector<16x8192xf32> to vector<16x1024xf32>
    %dot_general3A_22 = arith.constant dense<0.000000e+00> : vector<128x1024xf32>
    %dot_general3A_23 = tpu.matmul %get3A_20, %slice3A_21, %dot_general3A_22 {dimension_numbers = #tpu.dot_dimension_numbers<[1], [0], [0], [1], [0, 0, 1, 1], [], []>, transpose_lhs_hint = false} : vector<128x16xf32>, vector<16x1024xf32>, vector<128x1024xf32> -> vector<128x1024xf32>
    %add3A_24 = arith.addf %add3A_17, %dot_general3A_23 : vector<128x1024xf32>
    %get3A_25 = arith.constant 0 : index
    %get3A_26 = arith.constant 48 : index
    %get3A_27 = vector.load %arg2[%get3A_25, %get3A_26] : memref<128x128xf32, #tpu.memory_space<vmem>>, vector<128x16xf32>
    %slice3A_28 = vector.extract_strided_slice %select_n3A {offsets = [0, 3072], sizes = [16, 1024], strides = [1, 1]} : vector<16x8192xf32> to vector<16x1024xf32>
    %dot_general3A_29 = arith.constant dense<0.000000e+00> : vector<128x1024xf32>
    %dot_general3A_30 = tpu.matmul %get3A_27, %slice3A_28, %dot_general3A_29 {dimension_numbers = #tpu.dot_dimension_numbers<[1], [0], [0], [1], [0, 0, 1, 1], [], []>, transpose_lhs_hint = false} : vector<128x16xf32>, vector<16x1024xf32>, vector<128x1024xf32> -> vector<128x1024xf32>
    %add3A_31 = arith.addf %add3A_24, %dot_general3A_30 : vector<128x1024xf32>
    %get3A_32 = arith.constant 0 : index
    %get3A_33 = arith.constant 64 : index
    %get3A_34 = vector.load %arg2[%get3A_32, %get3A_33] : memref<128x128xf32, #tpu.memory_space<vmem>>, vector<128x16xf32>
    %slice3A_35 = vector.extract_strided_slice %select_n3A {offsets = [0, 4096], sizes = [16, 1024], strides = [1, 1]} : vector<16x8192xf32> to vector<16x1024xf32>
    %dot_general3A_36 = arith.constant dense<0.000000e+00> : vector<128x1024xf32>
    %dot_general3A_37 = tpu.matmul %get3A_34, %slice3A_35, %dot_general3A_36 {dimension_numbers = #tpu.dot_dimension_numbers<[1], [0], [0], [1], [0, 0, 1, 1], [], []>, transpose_lhs_hint = false} : vector<128x16xf32>, vector<16x1024xf32>, vector<128x1024xf32> -> vector<128x1024xf32>
    %add3A_38 = arith.addf %add3A_31, %dot_general3A_37 : vector<128x1024xf32>
    %get3A_39 = arith.constant 0 : index
    %get3A_40 = arith.constant 80 : index
    %get3A_41 = vector.load %arg2[%get3A_39, %get3A_40] : memref<128x128xf32, #tpu.memory_space<vmem>>, vector<128x16xf32>
    %slice3A_42 = vector.extract_strided_slice %select_n3A {offsets = [0, 5120], sizes = [16, 1024], strides = [1, 1]} : vector<16x8192xf32> to vector<16x1024xf32>
    %dot_general3A_43 = arith.constant dense<0.000000e+00> : vector<128x1024xf32>
    %dot_general3A_44 = tpu.matmul %get3A_41, %slice3A_42, %dot_general3A_43 {dimension_numbers = #tpu.dot_dimension_numbers<[1], [0], [0], [1], [0, 0, 1, 1], [], []>, transpose_lhs_hint = false} : vector<128x16xf32>, vector<16x1024xf32>, vector<128x1024xf32> -> vector<128x1024xf32>
    %add3A_45 = arith.addf %add3A_38, %dot_general3A_44 : vector<128x1024xf32>
    %get3A_46 = arith.constant 0 : index
    %get3A_47 = arith.constant 96 : index
    %get3A_48 = vector.load %arg2[%get3A_46, %get3A_47] : memref<128x128xf32, #tpu.memory_space<vmem>>, vector<128x16xf32>
    %slice3A_49 = vector.extract_strided_slice %select_n3A {offsets = [0, 6144], sizes = [16, 1024], strides = [1, 1]} : vector<16x8192xf32> to vector<16x1024xf32>
    %dot_general3A_50 = arith.constant dense<0.000000e+00> : vector<128x1024xf32>
    %dot_general3A_51 = tpu.matmul %get3A_48, %slice3A_49, %dot_general3A_50 {dimension_numbers = #tpu.dot_dimension_numbers<[1], [0], [0], [1], [0, 0, 1, 1], [], []>, transpose_lhs_hint = false} : vector<128x16xf32>, vector<16x1024xf32>, vector<128x1024xf32> -> vector<128x1024xf32>
    %add3A_52 = arith.addf %add3A_45, %dot_general3A_51 : vector<128x1024xf32>
    %get3A_53 = arith.constant 0 : index
    %get3A_54 = arith.constant 112 : index
    %get3A_55 = vector.load %arg2[%get3A_53, %get3A_54] : memref<128x128xf32, #tpu.memory_space<vmem>>, vector<128x16xf32>
    %slice3A_56 = vector.extract_strided_slice %select_n3A {offsets = [0, 7168], sizes = [16, 1024], strides = [1, 1]} : vector<16x8192xf32> to vector<16x1024xf32>
    %dot_general3A_57 = arith.constant dense<0.000000e+00> : vector<128x1024xf32>
    %dot_general3A_58 = tpu.matmul %get3A_55, %slice3A_56, %dot_general3A_57 {dimension_numbers = #tpu.dot_dimension_numbers<[1], [0], [0], [1], [0, 0, 1, 1], [], []>, transpose_lhs_hint = false} : vector<128x16xf32>, vector<16x1024xf32>, vector<128x1024xf32> -> vector<128x1024xf32>
    %add3A_59 = arith.addf %add3A_52, %dot_general3A_58 : vector<128x1024xf32>
    %transpose3A = tpu.transpose %add3A_59, [1, 0] : vector<128x1024xf32> -> vector<1024x128xf32>
    %swap3A = arith.constant 0 : index
    %swap3A_60 = arith.constant 0 : index
    %swap3A_61 = vector.load %arg3[%swap3A, %swap3A_60] : memref<1024x128xf32, #tpu.memory_space<vmem>>, vector<1024x128xf32>
    tpu.vector_store %arg3[%swap3A, %swap3A_60], %transpose3A {strides = array<i32>} : memref<1024x128xf32, #tpu.memory_space<vmem>>, vector<1024x128xf32>,
    return
  }
  func.func @transform_0(%arg0: i32) -> (i32, i32) {
    %c0_i32 = arith.constant 0 : i32
    %c0_i32_0 = arith.constant 0 : i32
    return %c0_i32, %arg0 : i32, i32
  }
  func.func @transform_1(%arg0: i32) -> (i32, i32) {
    %c0_i32 = arith.constant 0 : i32
    %c0_i32_0 = arith.constant 0 : i32
    %c0_i32_1 = arith.constant 0 : i32
    return %c0_i32, %c0_i32_0 : i32, i32
  }
  func.func @transform_2(%arg0: i32) -> (i32, i32) {
    %c0_i32 = arith.constant 0 : i32
    %c0_i32_0 = arith.constant 0 : i32
    return %arg0, %c0_i32 : i32, i32
  }
}

module attributes {stable_mosaic.version = 14 : i64} {
  func.func @_repack_body(%arg0: i32, %arg1: memref<16x8192xf32, #tpu.memory_space<vmem>>, %arg2: memref<128x128xf32, #tpu.memory_space<vmem>>, %arg3: memref<1024x128xf32, #tpu.memory_space<vmem>>) attributes {dimension_semantics = [#tpu.dimension_semantics<parallel>], iteration_bounds = array<i64: 13>, scalar_prefetch = 0 : i64, scratch_operands = 0 : i64, tpu.core_type = #tpu.core_type<tc>, window_params = [{transform_indices = @transform_0, window_bounds = array<i64: 16, 8192>}, {pipeline_mode = #tpu.pipeline_mode<synchronous>, transform_indices = @transform_1, window_bounds = array<i64: 128, 128>}, {transform_indices = @transform_2, window_bounds = array<i64: 1024, 128>}]} {
    %get3A = arith.constant 0 : index
    %get3A_0 = arith.constant 0 : index
    %get3A_1 = vector.load %arg1[%get3A, %get3A_0] : memref<16x8192xf32, #tpu.memory_space<vmem>>, vector<16x8192xf32>
    %mul3A = arith.constant 8192 : i32
    %mul3A_2 = arith.muli %arg0, %mul3A : i32
    %sub3A = arith.constant 100000 : i32
    %sub3A_3 = arith.subi %sub3A, %mul3A_2 : i32
    %iota3A = tpu.iota {dimensions = array<i32: 1>} : vector<16x8192xi32>
    %lt3A = vector.broadcast %sub3A_3 : i32 to vector<16x8192xi32>
    %lt3A_4 = arith.cmpi slt, %iota3A, %lt3A : vector<16x8192xi32>
    %jit3A = arith.constant 0.000000e+00 : f32
    %broadcast_in_dim3A = vector.broadcast %jit3A : f32 to vector<16x8192xf32>
    %select_n3A = arith.select %lt3A_4, %get3A_1, %broadcast_in_dim3A : vector<16x8192xi1>, vector<16x8192xf32>
    %broadcast_in_dim3A_5 = arith.constant 0.000000e+00 : f32
    %broadcast_in_dim3A_6 = vector.broadcast %broadcast_in_dim3A_5 : f32 to vector<128x1024xf32>
    %get3A_7 = arith.constant 0 : index
    %get3A_8 = arith.constant 0 : index
    %get3A_9 = vector.load %arg2[%get3A_7, %get3A_8] : memref<128x128xf32, #tpu.memory_space<vmem>>, vector<128x16xf32>
    %slice3A = vector.extract_strided_slice %select_n3A {offsets = [0, 0], sizes = [16, 1024], strides = [1, 1]} : vector<16x8192xf32> to vector<16x1024xf32>
    %dot_general3A = arith.constant dense<0.000000e+00> : vector<128x1024xf32>
    %dot_general3A_10 = tpu.matmul %get3A_9, %slice3A, %dot_general3A {dimension_numbers = #tpu.dot_dimension_numbers<[1], [0], [0], [1], [0, 0, 1, 1], [], []>, transpose_lhs_hint = false} : vector<128x16xf32>, vector<16x1024xf32>, vector<128x1024xf32> -> vector<128x1024xf32>
    %add3A = arith.addf %broadcast_in_dim3A_6, %dot_general3A_10 : vector<128x1024xf32>
    %get3A_11 = arith.constant 0 : index
    %get3A_12 = arith.constant 16 : index
    %get3A_13 = vector.load %arg2[%get3A_11, %get3A_12] : memref<128x128xf32, #tpu.memory_space<vmem>>, vector<128x16xf32>
    %slice3A_14 = vector.extract_strided_slice %select_n3A {offsets = [0, 1024], sizes = [16, 1024], strides = [1, 1]} : vector<16x8192xf32> to vector<16x1024xf32>
    %dot_general3A_15 = arith.constant dense<0.000000e+00> : vector<128x1024xf32>
    %dot_general3A_16 = tpu.matmul %get3A_13, %slice3A_14, %dot_general3A_15 {dimension_numbers = #tpu.dot_dimension_numbers<[1], [0], [0], [1], [0, 0, 1, 1], [], []>, transpose_lhs_hint = false} : vector<128x16xf32>, vector<16x1024xf32>, vector<128x1024xf32> -> vector<128x1024xf32>
    %add3A_17 = arith.addf %add3A, %dot_general3A_16 : vector<128x1024xf32>
    %get3A_18 = arith.constant 0 : index
    %get3A_19 = arith.constant 32 : index
    %get3A_20 = vector.load %arg2[%get3A_18, %get3A_19] : memref<128x128xf32, #tpu.memory_space<vmem>>, vector<128x16xf32>
    %slice3A_21 = vector.extract_strided_slice %select_n3A {offsets = [0, 2048], sizes = [16, 1024], strides = [1, 1]} : vector<16x8192xf32> to vector<16x1024xf32>
    %dot_general3A_22 = arith.constant dense<0.000000e+00> : vector<128x1024xf32>
    %dot_general3A_23 = tpu.matmul %get3A_20, %slice3A_21, %dot_general3A_22 {dimension_numbers = #tpu.dot_dimension_numbers<[1], [0], [0], [1], [0, 0, 1, 1], [], []>, transpose_lhs_hint = false} : vector<128x16xf32>, vector<16x1024xf32>, vector<128x1024xf32> -> vector<128x1024xf32>
    %add3A_24 = arith.addf %add3A_17, %dot_general3A_23 : vector<128x1024xf32>
    %get3A_25 = arith.constant 0 : index
    %get3A_26 = arith.constant 48 : index
    %get3A_27 = vector.load %arg2[%get3A_25, %get3A_26] : memref<128x128xf32, #tpu.memory_space<vmem>>, vector<128x16xf32>
    %slice3A_28 = vector.extract_strided_slice %select_n3A {offsets = [0, 3072], sizes = [16, 1024], strides = [1, 1]} : vector<16x8192xf32> to vector<16x1024xf32>
    %dot_general3A_29 = arith.constant dense<0.000000e+00> : vector<128x1024xf32>
    %dot_general3A_30 = tpu.matmul %get3A_27, %slice3A_28, %dot_general3A_29 {dimension_numbers = #tpu.dot_dimension_numbers<[1], [0], [0], [1], [0, 0, 1, 1], [], []>, transpose_lhs_hint = false} : vector<128x16xf32>, vector<16x1024xf32>, vector<128x1024xf32> -> vector<128x1024xf32>
    %add3A_31 = arith.addf %add3A_24, %dot_general3A_30 : vector<128x1024xf32>
    %get3A_32 = arith.constant 0 : index
    %get3A_33 = arith.constant 64 : index
    %get3A_34 = vector.load %arg2[%get3A_32, %get3A_33] : memref<128x128xf32, #tpu.memory_space<vmem>>, vector<128x16xf32>
    %slice3A_35 = vector.extract_strided_slice %select_n3A {offsets = [0, 4096], sizes = [16, 1024], strides = [1, 1]} : vector<16x8192xf32> to vector<16x1024xf32>
    %dot_general3A_36 = arith.constant dense<0.000000e+00> : vector<128x1024xf32>
    %dot_general3A_37 = tpu.matmul %get3A_34, %slice3A_35, %dot_general3A_36 {dimension_numbers = #tpu.dot_dimension_numbers<[1], [0], [0], [1], [0, 0, 1, 1], [], []>, transpose_lhs_hint = false} : vector<128x16xf32>, vector<16x1024xf32>, vector<128x1024xf32> -> vector<128x1024xf32>
    %add3A_38 = arith.addf %add3A_31, %dot_general3A_37 : vector<128x1024xf32>
    %get3A_39 = arith.constant 0 : index
    %get3A_40 = arith.constant 80 : index
    %get3A_41 = vector.load %arg2[%get3A_39, %get3A_40] : memref<128x128xf32, #tpu.memory_space<vmem>>, vector<128x16xf32>
    %slice3A_42 = vector.extract_strided_slice %select_n3A {offsets = [0, 5120], sizes = [16, 1024], strides = [1, 1]} : vector<16x8192xf32> to vector<16x1024xf32>
    %dot_general3A_43 = arith.constant dense<0.000000e+00> : vector<128x1024xf32>
    %dot_general3A_44 = tpu.matmul %get3A_41, %slice3A_42, %dot_general3A_43 {dimension_numbers = #tpu.dot_dimension_numbers<[1], [0], [0], [1], [0, 0, 1, 1], [], []>, transpose_lhs_hint = false} : vector<128x16xf32>, vector<16x1024xf32>, vector<128x1024xf32> -> vector<128x1024xf32>
    %add3A_45 = arith.addf %add3A_38, %dot_general3A_44 : vector<128x1024xf32>
    %get3A_46 = arith.constant 0 : index
    %get3A_47 = arith.constant 96 : index
    %get3A_48 = vector.load %arg2[%get3A_46, %get3A_47] : memref<128x128xf32, #tpu.memory_space<vmem>>, vector<128x16xf32>
    %slice3A_49 = vector.extract_strided_slice %select_n3A {offsets = [0, 6144], sizes = [16, 1024], strides = [1, 1]} : vector<16x8192xf32> to vector<16x1024xf32>
    %dot_general3A_50 = arith.constant dense<0.000000e+00> : vector<128x1024xf32>
    %dot_general3A_51 = tpu.matmul %get3A_48, %slice3A_49, %dot_general3A_50 {dimension_numbers = #tpu.dot_dimension_numbers<[1], [0], [0], [1], [0, 0, 1, 1], [], []>, transpose_lhs_hint = false} : vector<128x16xf32>, vector<16x1024xf32>, vector<128x1024xf32> -> vector<128x1024xf32>
    %add3A_52 = arith.addf %add3A_45, %dot_general3A_51 : vector<128x1024xf32>
    %get3A_53 = arith.constant 0 : index
    %get3A_54 = arith.constant 112 : index
    %get3A_55 = vector.load %arg2[%get3A_53, %get3A_54] : memref<128x128xf32, #tpu.memory_space<vmem>>, vector<128x16xf32>
    %slice3A_56 = vector.extract_strided_slice %select_n3A {offsets = [0, 7168], sizes = [16, 1024], strides = [1, 1]} : vector<16x8192xf32> to vector<16x1024xf32>
    %dot_general3A_57 = arith.constant dense<0.000000e+00> : vector<128x1024xf32>
    %dot_general3A_58 = tpu.matmul %get3A_55, %slice3A_56, %dot_general3A_57 {dimension_numbers = #tpu.dot_dimension_numbers<[1], [0], [0], [1], [0, 0, 1, 1], [], []>, transpose_lhs_hint = false} : vector<128x16xf32>, vector<16x1024xf32>, vector<128x1024xf32> -> vector<128x1024xf32>
    %add3A_59 = arith.addf %add3A_52, %dot_general3A_58 : vector<128x1024xf32>
    %transpose3A = tpu.transpose %add3A_59, [1, 0] : vector<128x1024xf32> -> vector<1024x128xf32>
    %swap3A = arith.constant 0 : index
    %swap3A_60 = arith.constant 0 : index
    %swap3A_61 = vector.load %arg3[%swap3A, %swap3A_60] : memref<1024x128xf32, #tpu.memory_space<vmem>>, vector<1024x128xf32>
    tpu.vector_store %arg3[%swap3A, %swap3A_60], %transpose3A {strides = array<i32>} : memref<1024x128xf32, #tpu.memory_space<vmem>>, vector<1024x128xf32>,
    return
  }
  func.func @transform_0(%arg0: i32) -> (i32, i32) {
    %c0_i32 = arith.constant 0 : i32
    %c0_i32_0 = arith.constant 0 : i32
    return %c0_i32, %arg0 : i32, i32
  }
  func.func @transform_1(%arg0: i32) -> (i32, i32) {
    %c0_i32 = arith.constant 0 : i32
    %c0_i32_0 = arith.constant 0 : i32
    %c0_i32_1 = arith.constant 0 : i32
    return %c0_i32, %c0_i32_0 : i32, i32
  }
  func.func @transform_2(%arg0: i32) -> (i32, i32) {
    %c0_i32 = arith.constant 0 : i32
    %c0_i32_0 = arith.constant 0 : i32
    return %arg0, %c0_i32 : i32, i32
  }
}

module attributes {stable_mosaic.version = 14 : i64} {
  func.func @_mlp_body(%arg0: i32, %arg1: memref<4096x128xf32, #tpu.memory_space<vmem>>, %arg2: memref<4096x128xf32, #tpu.memory_space<vmem>>, %arg3: memref<4096x1xi32, #tpu.memory_space<vmem>>, %arg4: memref<4096x1xi32, #tpu.memory_space<vmem>>, %arg5: memref<128x128xf32, #tpu.memory_space<vmem>>, %arg6: memref<128x128xf32, #tpu.memory_space<vmem>>, %arg7: memref<1x128xf32, #tpu.memory_space<vmem>>, %arg8: memref<128x64xf32, #tpu.memory_space<vmem>>, %arg9: memref<1x64xf32, #tpu.memory_space<vmem>>, %arg10: memref<64x1xf32, #tpu.memory_space<vmem>>, %arg11: memref<1x1xf32, #tpu.memory_space<vmem>>, %arg12: memref<4096x1xf32, #tpu.memory_space<vmem>>) attributes {dimension_semantics = [#tpu.dimension_semantics<parallel>], iteration_bounds = array<i64: 4>, scalar_prefetch = 0 : i64, scratch_operands = 0 : i64, tpu.core_type = #tpu.core_type<tc>, window_params = [{transform_indices = @transform_0, window_bounds = array<i64: 4096, 128>}, {transform_indices = @transform_1, window_bounds = array<i64: 4096, 128>}, {transform_indices = @transform_2, window_bounds = array<i64: 4096, 1>}, {transform_indices = @transform_3, window_bounds = array<i64: 4096, 1>}, {pipeline_mode = #tpu.pipeline_mode<synchronous>, transform_indices = @transform_4, window_bounds = array<i64: 128, 128>}, {pipeline_mode = #tpu.pipeline_mode<synchronous>, transform_indices = @transform_5, window_bounds = array<i64: 128, 128>}, {pipeline_mode = #tpu.pipeline_mode<synchronous>, transform_indices = @transform_6, window_bounds = array<i64: 1, 128>}, {pipeline_mode = #tpu.pipeline_mode<synchronous>, transform_indices = @transform_7, window_bounds = array<i64: 128, 64>}, {pipeline_mode = #tpu.pipeline_mode<synchronous>, transform_indices = @transform_8, window_bounds = array<i64: 1, 64>}, {pipeline_mode = #tpu.pipeline_mode<synchronous>, transform_indices = @transform_9, window_bounds = array<i64: 64, 1>}, {pipeline_mode = #tpu.pipeline_mode<synchronous>, transform_indices = @transform_10, window_bounds = array<i64: 1, 1>}, {transform_indices = @transform_11, window_bounds = array<i64: 4096, 1>}]} {
    %iota3A = tpu.iota {dimensions = array<i32: 1>} : vector<4096x128xi32>
    %jit3A = arith.constant 16 : i32
    %div3A = vector.broadcast %jit3A : i32 to vector<4096x128xi32>
    %div3A_0 = arith.divsi %iota3A, %div3A : vector<4096x128xi32>
    %sign3A = arith.constant 0 : i32
    %sign3A_1 = vector.broadcast %sign3A : i32 to vector<4096x128xi32>
    %sign3A_2 = arith.cmpi sgt, %iota3A, %sign3A_1 : vector<4096x128xi32>
    %sign3A_3 = arith.extui %sign3A_2 : vector<4096x128xi1> to vector<4096x128xi32>
    %sign3A_4 = arith.constant 0 : i32
    %sign3A_5 = vector.broadcast %sign3A_4 : i32 to vector<4096x128xi32>
    %sign3A_6 = arith.cmpi slt, %iota3A, %sign3A_5 : vector<4096x128xi32>
    %sign3A_7 = arith.extui %sign3A_6 : vector<4096x128xi1> to vector<4096x128xi32>
    %sign3A_8 = arith.subi %sign3A_3, %sign3A_7 : vector<4096x128xi32>
    %sign3A_9 = arith.constant 0 : i32
    %sign3A_10 = arith.cmpi sgt, %jit3A, %sign3A_9 : i32
    %sign3A_11 = arith.extui %sign3A_10 : i1 to i32
    %sign3A_12 = arith.constant 0 : i32
    %sign3A_13 = arith.cmpi slt, %jit3A, %sign3A_12 : i32
    %sign3A_14 = arith.extui %sign3A_13 : i1 to i32
    %sign3A_15 = arith.subi %sign3A_11, %sign3A_14 : i32
    %ne3A = vector.broadcast %sign3A_15 : i32 to vector<4096x128xi32>
    %ne3A_16 = arith.cmpi ne, %sign3A_8, %ne3A : vector<4096x128xi32>
    %rem3A = vector.broadcast %jit3A : i32 to vector<4096x128xi32>
    %rem3A_17 = arith.remsi %iota3A, %rem3A : vector<4096x128xi32>
    %ne3A_18 = arith.constant 0 : i32
    %ne3A_19 = vector.broadcast %ne3A_18 : i32 to vector<4096x128xi32>
    %ne3A_20 = arith.cmpi ne, %rem3A_17, %ne3A_19 : vector<4096x128xi32>
    %and3A = arith.andi %ne3A_16, %ne3A_20 : vector<4096x128xi1>
    %sub3A = arith.constant 1 : i32
    %sub3A_21 = vector.broadcast %sub3A : i32 to vector<4096x128xi32>
    %sub3A_22 = arith.subi %div3A_0, %sub3A_21 : vector<4096x128xi32>
    %select_n3A = arith.select %and3A, %sub3A_22, %div3A_0 : vector<4096x128xi1>, vector<4096x128xi32>
    %get3A = arith.constant 0 : index
    %get3A_23 = arith.constant 0 : index
    %get3A_24 = vector.load %arg3[%get3A, %get3A_23] : memref<4096x1xi32, #tpu.memory_space<vmem>>, vector<4096x1xi32>
    %eq3A = vector.broadcast %get3A_24 : vector<4096x1xi32> to vector<4096x128xi32>
    %eq3A_25 = arith.cmpi eq, %select_n3A, %eq3A : vector<4096x128xi32>
    %get3A_26 = arith.constant 0 : index
    %get3A_27 = arith.constant 0 : index
    %get3A_28 = vector.load %arg1[%get3A_26, %get3A_27] : memref<4096x128xf32, #tpu.memory_space<vmem>>, vector<4096x128xf32>
    %jit3A_29 = arith.constant 0.000000e+00 : f32
    %broadcast_in_dim3A = vector.broadcast %jit3A_29 : f32 to vector<4096x128xf32>
    %select_n3A_30 = arith.select %eq3A_25, %get3A_28, %broadcast_in_dim3A : vector<4096x128xi1>, vector<4096x128xf32>
    %get3A_31 = arith.constant 0 : index
    %get3A_32 = arith.constant 0 : index
    %get3A_33 = vector.load %arg4[%get3A_31, %get3A_32] : memref<4096x1xi32, #tpu.memory_space<vmem>>, vector<4096x1xi32>
    %eq3A_34 = vector.broadcast %get3A_33 : vector<4096x1xi32> to vector<4096x128xi32>
    %eq3A_35 = arith.cmpi eq, %select_n3A, %eq3A_34 : vector<4096x128xi32>
    %get3A_36 = arith.constant 0 : index
    %get3A_37 = arith.constant 0 : index
    %get3A_38 = vector.load %arg2[%get3A_36, %get3A_37] : memref<4096x128xf32, #tpu.memory_space<vmem>>, vector<4096x128xf32>
    %jit3A_39 = arith.constant 0.000000e+00 : f32
    %broadcast_in_dim3A_40 = vector.broadcast %jit3A_39 : f32 to vector<4096x128xf32>
    %select_n3A_41 = arith.select %eq3A_35, %get3A_38, %broadcast_in_dim3A_40 : vector<4096x128xi1>, vector<4096x128xf32>
    %get3A_42 = arith.constant 0 : index
    %get3A_43 = arith.constant 0 : index
    %get3A_44 = vector.load %arg5[%get3A_42, %get3A_43] : memref<128x128xf32, #tpu.memory_space<vmem>>, vector<128x128xf32>
    %dot_general3A = arith.constant dense<0.000000e+00> : vector<4096x128xf32>
    %dot_general3A_45 = tpu.matmul %select_n3A_30, %get3A_44, %dot_general3A {dimension_numbers = #tpu.dot_dimension_numbers<[1], [0], [0], [1], [0, 0, 1, 1], [], []>, transpose_lhs_hint = false} : vector<4096x128xf32>, vector<128x128xf32>, vector<4096x128xf32> -> vector<4096x128xf32>
    %get3A_46 = arith.constant 0 : index
    %get3A_47 = arith.constant 0 : index
    %get3A_48 = vector.load %arg6[%get3A_46, %get3A_47] : memref<128x128xf32, #tpu.memory_space<vmem>>, vector<128x128xf32>
    %dot_general3A_49 = arith.constant dense<0.000000e+00> : vector<4096x128xf32>
    %dot_general3A_50 = tpu.matmul %select_n3A_41, %get3A_48, %dot_general3A_49 {dimension_numbers = #tpu.dot_dimension_numbers<[1], [0], [0], [1], [0, 0, 1, 1], [], []>, transpose_lhs_hint = false} : vector<4096x128xf32>, vector<128x128xf32>, vector<4096x128xf32> -> vector<4096x128xf32>
    %add3A = arith.addf %dot_general3A_45, %dot_general3A_50 : vector<4096x128xf32>
    %get3A_51 = arith.constant 0 : index
    %get3A_52 = arith.constant 0 : index
    %get3A_53 = vector.load %arg7[%get3A_51, %get3A_52] : memref<1x128xf32, #tpu.memory_space<vmem>>, vector<1x128xf32>
    %add3A_54 = vector.broadcast %get3A_53 : vector<1x128xf32> to vector<4096x128xf32>
    %add3A_55 = arith.addf %add3A, %add3A_54 : vector<4096x128xf32>
    %max3A = arith.constant 0.000000e+00 : f32
    %max3A_56 = vector.broadcast %max3A : f32 to vector<4096x128xf32>
    %max3A_57 = arith.maximumf %add3A_55, %max3A_56 : vector<4096x128xf32>
    %get3A_58 = arith.constant 0 : index
    %get3A_59 = arith.constant 0 : index
    %get3A_60 = vector.load %arg8[%get3A_58, %get3A_59] : memref<128x64xf32, #tpu.memory_space<vmem>>, vector<128x64xf32>
    %dot_general3A_61 = arith.constant dense<0.000000e+00> : vector<4096x64xf32>
    %dot_general3A_62 = tpu.matmul %max3A_57, %get3A_60, %dot_general3A_61 {dimension_numbers = #tpu.dot_dimension_numbers<[1], [0], [0], [1], [0, 0, 1, 1], [], []>, transpose_lhs_hint = false} : vector<4096x128xf32>, vector<128x64xf32>, vector<4096x64xf32> -> vector<4096x64xf32>
    %get3A_63 = arith.constant 0 : index
    %get3A_64 = arith.constant 0 : index
    %get3A_65 = vector.load %arg9[%get3A_63, %get3A_64] : memref<1x64xf32, #tpu.memory_space<vmem>>, vector<1x64xf32>
    %add3A_66 = vector.broadcast %get3A_65 : vector<1x64xf32> to vector<4096x64xf32>
    %add3A_67 = arith.addf %dot_general3A_62, %add3A_66 : vector<4096x64xf32>
    %max3A_68 = arith.constant 0.000000e+00 : f32
    %max3A_69 = vector.broadcast %max3A_68 : f32 to vector<4096x64xf32>
    %max3A_70 = arith.maximumf %add3A_67, %max3A_69 : vector<4096x64xf32>
    %get3A_71 = arith.constant 0 : index
    %get3A_72 = arith.constant 0 : index
    %get3A_73 = vector.load %arg10[%get3A_71, %get3A_72] : memref<64x1xf32, #tpu.memory_space<vmem>>, vector<64x1xf32>
    %dot_general3A_74 = arith.constant dense<0.000000e+00> : vector<4096x1xf32>
    %dot_general3A_75 = tpu.matmul %max3A_70, %get3A_73, %dot_general3A_74 {dimension_numbers = #tpu.dot_dimension_numbers<[1], [0], [0], [1], [0, 0, 1, 1], [], []>, transpose_lhs_hint = false} : vector<4096x64xf32>, vector<64x1xf32>, vector<4096x1xf32> -> vector<4096x1xf32>
    %get3A_76 = arith.constant 0 : index
    %get3A_77 = arith.constant 0 : index
    %get3A_78 = vector.load %arg11[%get3A_76, %get3A_77] : memref<1x1xf32, #tpu.memory_space<vmem>>, vector<1x1xf32>
    %add3A_79 = vector.broadcast %get3A_78 : vector<1x1xf32> to vector<4096x1xf32>
    %add3A_80 = arith.addf %dot_general3A_75, %add3A_79 : vector<4096x1xf32>
    %swap3A = arith.constant 0 : index
    %swap3A_81 = arith.constant 0 : index
    %swap3A_82 = vector.load %arg12[%swap3A, %swap3A_81] : memref<4096x1xf32, #tpu.memory_space<vmem>>, vector<4096x1xf32>
    tpu.vector_store %arg12[%swap3A, %swap3A_81], %add3A_80 {strides = array<i32>} : memref<4096x1xf32, #tpu.memory_space<vmem>>, vector<4096x1xf32>,
    return
  }
  func.func @transform_0(%arg0: i32) -> (i32, i32) {
    %c0_i32 = arith.constant 0 : i32
    %c0_i32_0 = arith.constant 0 : i32
    return %arg0, %c0_i32 : i32, i32
  }
  func.func @transform_1(%arg0: i32) -> (i32, i32) {
    %c0_i32 = arith.constant 0 : i32
    %c0_i32_0 = arith.constant 0 : i32
    return %arg0, %c0_i32 : i32, i32
  }
  func.func @transform_2(%arg0: i32) -> (i32, i32) {
    %c0_i32 = arith.constant 0 : i32
    %c0_i32_0 = arith.constant 0 : i32
    return %arg0, %c0_i32 : i32, i32
  }
  func.func @transform_3(%arg0: i32) -> (i32, i32) {
    %c0_i32 = arith.constant 0 : i32
    %c0_i32_0 = arith.constant 0 : i32
    return %arg0, %c0_i32 : i32, i32
  }
  func.func @transform_4(%arg0: i32) -> (i32, i32) {
    %c0_i32 = arith.constant 0 : i32
    %c0_i32_0 = arith.constant 0 : i32
    %c0_i32_1 = arith.constant 0 : i32
    return %c0_i32, %c0_i32_0 : i32, i32
  }
  func.func @transform_5(%arg0: i32) -> (i32, i32) {
    %c0_i32 = arith.constant 0 : i32
    %c0_i32_0 = arith.constant 0 : i32
    %c0_i32_1 = arith.constant 0 : i32
    return %c0_i32, %c0_i32_0 : i32, i32
  }
  func.func @transform_6(%arg0: i32) -> (i32, i32) {
    %c0_i32 = arith.constant 0 : i32
    %c0_i32_0 = arith.constant 0 : i32
    %c0_i32_1 = arith.constant 0 : i32
    return %c0_i32, %c0_i32_0 : i32, i32
  }
  func.func @transform_7(%arg0: i32) -> (i32, i32) {
    %c0_i32 = arith.constant 0 : i32
    %c0_i32_0 = arith.constant 0 : i32
    %c0_i32_1 = arith.constant 0 : i32
    return %c0_i32, %c0_i32_0 : i32, i32
  }
  func.func @transform_8(%arg0: i32) -> (i32, i32) {
    %c0_i32 = arith.constant 0 : i32
    %c0_i32_0 = arith.constant 0 : i32
    %c0_i32_1 = arith.constant 0 : i32
    return %c0_i32, %c0_i32_0 : i32, i32
  }
  func.func @transform_9(%arg0: i32) -> (i32, i32) {
    %c0_i32 = arith.constant 0 : i32
    %c0_i32_0 = arith.constant 0 : i32
    %c0_i32_1 = arith.constant 0 : i32
    return %c0_i32, %c0_i32_0 : i32, i32
  }
  func.func @transform_10(%arg0: i32) -> (i32, i32) {
    %c0_i32 = arith.constant 0 : i32
    %c0_i32_0 = arith.constant 0 : i32
    %c0_i32_1 = arith.constant 0 : i32
    return %c0_i32, %c0_i32_0 : i32, i32
  }
  func.func @transform_11(%arg0: i32) -> (i32, i32) {
    %c0_i32 = arith.constant 0 : i32
    %c0_i32_0 = arith.constant 0 : i32
    return %arg0, %c0_i32 : i32, i32
  }
}

</mosaic_0001>

<sc_bundles>
// kernel: kernel.6.cloned.1.call-start
scs
__scs_entry_jumppad:
0x0: {  	(pc) =	sbr.rel $0x88, $3  }
0x1: {  	(tag) =	ssettag $0x0;
	lr =	simm.s32 $0x1  }
0x2: {  	[smem:$0x3F97] =	sst lr;
	_ =	strace $0xD0000000  }
0x3: {  	_ = 	snop  }
0x4: {  	_ = 	snop  }
0x5: {  	_ = 	snop  }
0x6: {  	_ = 	snop  }
0x7: {  	_ = 	snop  }
__scs_overlays_trampoline_lowered:
0x8: {  	[smem:$0x3FA6] =	sst s0  }
0x9: {  	[smem:$0x3FA7] =	sst s1  }
0xa: {  	[smem:$0x3FA8] =	sst s2  }
0xb: {  	[smem:$0x3FA9] =	sst s3  }
0xc: {  	[smem:$0x3FAA] =	sst s4  }
0xd: {  	[smem:$0x3FAB] =	sst s5  }
0xe: {  	[smem:$0x3FAC] =	sst s6  }
0xf: {  	[smem:$0x3FAD] =	sst s7  }
0x10: {  	[smem:$0x3FAE] =	sst s8  }
0x11: {  	[smem:$0x3FAF] =	sst s9;
	s0 =	simm.s32 @!p0 $0x0  }
0x12: {  	s1 =	sld [smem:$0x3F95];
	s0 =	simm.s32 @p0 $0x1  }
0x13: {  	[smem:$0x3FB0] =	sst s0;
	s0 =	simm.s32 @!p1 $0x0  }
0x14: {  	s2 =	sld [smem:$0x3F94];
	s0 =	simm.s32 @p1 $0x1  }
0x15: {  	[smem:$0x3FB1] =	sst s0;
	s0 =	simm.s32 @!p2 $0x0  }
0x16: {  	s3 =	sld [smem:$0x3FDB];
	s0 =	simm.s32 @p2 $0x1  }
0x17: {  	s4 =	simm.s32 $0x1BF5;
	[smem:$0x3FB3] =	sst s0  }
0x18: {  	s0 =	sld [smem:$0x3F96];
	_ =	swait.ge [sflag:s4], $0x0  }
0x19: {  	s7 =	sld [smem:$0x3F97]  }
0x1a: {  	s8 =	sadd.s32 $0xFFFFE003, lr  }
0x1b: {  	s9 =	sadd.s32 $0xFFFFFEF7, lr;
	s5 =	simm.s32 $0xFFFFFFFF;
	p2 =	slt.u32 s8, $0xFFFFF086  }
0x1c: {  	p1 =	slt.u32 s9, $0xF7A;
	s5 =	simm.s32 @!p2 $0x0  }
0x1d: {  	s5 =	simm.s32 @p1 $0x1;
	p0 =	seq.s32 s7, s2  }
0x1e: {  	s7 =	smul.u32 @!p0 $0xF7A, s2;
	p2 =	seq.s32 @!p0 s5, $0x0  }
0x1f: {  	s9 =	smul.u32 $0xF7A, s1;
	s8 =	simm.s32 @!p0 $0x1BF5;
	p2 =	por !p2, p0  }
0x20: {  	[sflag:s8] =	ssyncset.s32 @!p0 $0xFFFFF086;
	s6 =	sadd.s32 @!p0 s3, s7;
	s7 =	simm.s32 @!p0 $0x108  }
0x21: {  	s3 =	sadd.s32 s3, s9;
	s6 =	sadd.s32 @!p0 $0x88, s6;
	s7 =	simm.s32 @p2 $0x1082  }
0x22: {  	[simem:s7], [sflag:s8] =	dma.local @!p0 [hbm:s6], $0xF7A  }
0x23: {  	s9 =	sor.u32 $0xD0000000, s2;
	s6 =	simm.s32 $0x108;
	_ =	swait.ge @!p0 [sflag:s8], $0x0  }
0x24: {  	s3 =	sadd.s32 $0x88, s3;
	s6 =	simm.s32 @!p1 $0x1082;
	[sflag:s4] =	ssyncset.s32 $0xFFFFF086  }
0x25: {  	[simem:s6], [sflag:s4] =	dma.local [hbm:s3], $0xF7A  }
0x26: {  	[smem:$0x3F97] =	sst s1;
	(tag) =	ssettag s2;
	_ =	strace s9  }
0x27: {  	s1 =	sld [smem:$0x3FA7]  }
0x28: {  	s2 =	sld [smem:$0x3FA8]  }
0x29: {  	s4 =	sld [smem:$0x3FAA]  }
0x2a: {  	p0 =	seq.s32 s5, $0x0;
	s5 =	sld [smem:$0x3FAB]  }
0x2b: {  	s6 =	sld [smem:$0x3FAC]  }
0x2c: {  	s7 =	sld [smem:$0x3FAD]  }
0x2d: {  	s3 =	simm.s32 $0x108;
	s8 =	sld [smem:$0x3FAE]  }
0x2e: {  	s3 =	simm.s32 @!p0 $0x1082;
	s9 =	sld [smem:$0x3FAF]  }
0x2f: {  	lr =	sadd.s32 s0, s3;
	s0 =	sld [smem:$0x3FA6]  }
0x30: {  	s3 =	sld [smem:$0x3FA9]  }
0x31: {  	[smem:$0x3FB2] =	sst s10  }
0x32: {  	s10 =	sld [smem:$0x3FB0];
	_ =	sdelay $0x3  }
0x33: {  	p0 =	seq.s32 s10, $0x1;
	s10 =	sld [smem:$0x3FB2];
	_ =	sdelay $0x3  }
0x34: {  	[smem:$0x3FB2] =	sst s10  }
0x35: {  	s10 =	sld [smem:$0x3FB1];
	_ =	sdelay $0x3  }
0x36: {  	p1 =	seq.s32 s10, $0x1;
	s10 =	sld [smem:$0x3FB2];
	_ =	sdelay $0x3  }
0x37: {  	[smem:$0x3FB2] =	sst s10  }
0x38: {  	s10 =	sld [smem:$0x3FB3]  }
0x39: {  	_ = 	snop;
	(pc) =	sbr.ind lr, $3  }
0x3a: {  	_ = 	snop  }
0x3b: {  	_ = 	snop  }
0x3c: {  	p2 =	seq.s32 s10, $0x1;
	s10 =	sld [smem:$0x3FB2]  }
0x3d: {  	_ =	shalt  }
0x3e: {  	_ =	shalt  }
0x3f: {  	_ =	shalt  }
0x40: {  	_ =	shalt  }
0x41: {  	_ =	shalt  }
0x42: {  	_ =	shalt  }
0x43: {  	_ =	shalt  }
0x44: {  	_ =	shalt  }
0x45: {  	_ =	shalt  }
0x46: {  	_ =	shalt  }
0x47: {  	_ =	shalt  }
0x48: {  	_ =	shalt  }
0x49: {  	_ =	shalt  }
0x4a: {  	_ =	shalt  }
0x4b: {  	_ =	shalt  }
0x4c: {  	_ =	shalt  }
0x4d: {  	_ =	shalt  }
0x4e: {  	_ =	shalt  }
0x4f: {  	_ =	shalt  }
0x50: {  	_ =	shalt  }
0x51: {  	_ =	shalt  }
0x52: {  	_ =	shalt  }
0x53: {  	_ =	shalt  }
0x54: {  	_ =	shalt  }
0x55: {  	_ =	shalt  }
0x56: {  	_ =	shalt  }
0x57: {  	_ =	shalt  }
0x58: {  	_ =	shalt  }
0x59: {  	_ =	shalt  }
0x5a: {  	_ =	shalt  }
0x5b: {  	_ =	shalt  }
0x5c: {  	_ =	shalt  }
0x5d: {  	_ =	shalt  }
0x5e: {  	_ =	shalt  }
0x5f: {  	_ =	shalt  }
0x60: {  	_ =	shalt  }
0x61: {  	_ =	shalt  }
0x62: {  	_ =	shalt  }
0x63: {  	_ =	shalt  }
0x64: {  	_ =	shalt  }
0x65: {  	_ =	shalt  }
0x66: {  	_ =	shalt  }
0x67: {  	_ =	shalt  }
0x68: {  	_ =	shalt  }
0x69: {  	_ =	shalt  }
0x6a: {  	_ =	shalt  }
0x6b: {  	_ =	shalt  }
0x6c: {  	_ =	shalt  }
0x6d: {  	_ =	shalt  }
0x6e: {  	_ =	shalt  }
0x6f: {  	_ =	shalt  }
0x70: {  	_ =	shalt  }
0x71: {  	_ =	shalt  }
0x72: {  	_ =	shalt  }
0x73: {  	_ =	shalt  }
0x74: {  	_ =	shalt  }
0x75: {  	_ =	shalt  }
0x76: {  	_ =	shalt  }
0x77: {  	_ =	shalt  }
0x78: {  	_ =	shalt  }
0x79: {  	_ =	shalt  }
0x7a: {  	_ =	shalt  }
0x7b: {  	_ =	shalt  }
0x7c: {  	_ =	shalt  }
0x7d: {  	_ =	shalt  }
0x7e: {  	_ =	shalt  }
0x7f: {  	_ =	shalt  }
0x80: {  	_ =	shalt  }
0x81: {  	_ =	shalt  }
0x82: {  	_ =	shalt  }
0x83: {  	_ =	shalt  }
0x84: {  	_ =	shalt  }
0x85: {  	_ =	shalt  }
0x86: {  	_ =	shalt  }
0x87: {  	_ =	shalt  }
.Lfunc_end0:
.L_simem_size_0:
called_computation_lowered:
.L_overlay_start_0:
0x88: {  	s2 =	sld [smem:$0x3FD9]  }
0x89: {  	s3 =	sld [smem:$0x3FFE];
	_ =	sdelay $0x1  }
0x8a: {  	s1 =	srdreg.scid  }
0x8b: {  	s0 =	sand.u32 $0x1, s1  }
0x8c: {  	s17 =	sshll.u32 s0, $0xA;
	s2 =	sadd.s32 s3, s2  }
0x8d: {  	s2 =	sadd.s32 s2, s17  }
0x8e: {  	[smem:$0x3FBE] =	sst s2  }
0x8f: {  	_ = 	snop  }
0x90: {  	s2 =	sld [smem:$0x3FD0];
	(tm) =	ssettm $0x1  }
0x91: {  	s18 =	sld [smem:$0x3FFB];
	_ =	sdelay $0x3  }
0x92: {  	_ =	strace s18  }
0x93: {  	s3 =	sld [smem:$0x3FFC];
	_ =	sdelay $0x3  }
0x94: {  	_ =	strace s3  }
0x95: {  	s3 =	sld [smem:$0x3FFD];
	_ =	sdelay $0x3  }
0x96: {  	_ =	strace s3  }
0x97: {  	_ =	strace $0x8FFFFFFF  }
0x98: {  	s19 =	sld [smem:$0x3FDB];
	_ =	sdelay $0x1  }
0x99: {  	s4 =	simm.s32 $_scs_section_size  }
0x9a: {  	s5 =	simm.s32 $_size__tile_overlayer_lowered;
	s6 =	simm.s32 $_tile_overlayer_lowered  }
0x9b: {  	s22 =	simm.s32 $0x1BFF;
	s21 =	sshll.u32 s6, $0x1;
	s3 =	sadd.s32 s4, s19  }
0x9c: {  	s7 =	simm.s32 $0x0;
	s20 =	sshll.u32 s5, $0x1;
	s5 =	sadd.s32 s21, s3  }
0x9d: {  	[timem:s7], [sflag:s22] =	dma.local [hbm:s5], s20  }
0x9e: {  	_ =	swait.ge [sflag:s22], s20  }
0x9f: {  	s4 =	ssub.s32 $0x0, s20;
	[sflag:s22] =	ssyncset.done $0x0  }
0xa0: {  	[sflag:s22] =	ssyncadd.s32 s4;
	_ =	sdelay $0x1  }
0xa1: {  	s23 =	simm.s32 $0x1B8B  }
0xa2: {  	_ =	swait.ge [sflag:s23], $0x1  }
0xa3: {  	[sflag:s23] =	ssyncset.done $0x0  }
0xa4: {  	s25 =	simm.s32 $0x1B8E;
	s24 =	sld [smem:$0x3FFE];
	[sflag:s23] =	ssyncadd.s32 $0xFFFFFFFF  }
0xa5: {  	s26 =	simm.s32 $execute0_lowered;
	[smem:$0x3FD2] =	sst s25  }
0xa6: {  	s5 =	sshll.u32 s26, $0x1;
	_ =	strace $0x80000046;
	[dreg:$0x1] =	wrdreg $0xFFFFFFFF  }
0xa7: {  	s28 =	simm.s32 $_size_execute0_lowered;
	s3 =	sadd.s32 s3, s5;
	[dreg:$0x0] =	wrdreg $0x0  }
0xa8: {  	s5 =	sshll.u32 s28, $0x1;
	[dreg:$0x2] =	wrdreg s3  }
0xa9: {  	[dreg:$0x3] =	wrdreg s5  }
0xaa: {  	[dreg:$0x4] =	wrdreg $0xC0  }
0xab: {  	_ =	task [dreg:s7], $0x5FFFF  }
0xac: {  	[dreg:$0x1] =	wrdreg $0xFFFFFFFF  }
0xad: {  	[dreg:$0x0] =	wrdreg $0x60  }
0xae: {  	[dreg:$0x2] =	wrdreg s24  }
0xaf: {  	[dreg:$0x3] =	wrdreg s2  }
0xb0: {  	[dreg:$0x4] =	wrdreg $0x9  }
0xb1: {  	_ =	task.clear_ibuf [dreg:s7], $0x5FFFF;
	_ =	strace $0x90000046  }
0xb2: {  	s29 =	simm.s32 $0x9;
	_ =	strace $0x80000048  }
0xb3: {  	_ =	swait.ge [sflag:s29], $0x1  }
0xb4: {  	[sflag:s29] =	ssyncadd.s32 $0xFFFFFFFF  }
0xb5: {  	_ =	strace $0x90000048  }
0xb6: {  	_ =	sfence  }
0xb7: {  	s30 =	sld [smem:$0x0];
	_ =	sdelay $0x2  }
0xb8: {  	s31 =	sshll.u32 s1, $0xD;
	s1 =	sshrl.u32 s1, $0x2  }
0xb9: {  	s3 =	sand.u32 $0x4000, s31;
	s1 =	sadd.s32 s1, s30  }
0xba: {  	s0 =	sor.u32 s3, s0;
	s1 =	sshll.u32 s1, $0x11  }
0xbb: {  	s0 =	sor.u32 s1, s0  }
0xbc: {  	s0 =	sadd.s32 $0x8F2B, s0  }
0xbd: {  	[sflag:s0] =	ssyncadd.remote.s32 $0x1  }
0xbe: {  	_ =	sfence.sel $0xFFFF  }
0xbf: {  	[dreg:$0x0] =	wrdreg $0xFFFFFFFF;
	(pc) =	sbr.abs _section_cstart, $3  }
0xc0: {  	[dreg:$0x1] =	wrdreg $0xFFFFFFFF  }
0xc1: {  	_ =	task.clear_ibuf [dreg:s7], $0x2FFFF;
	_ =	strace $0x9FFFFFFF  }
0xc2: {  	(tm) =	ssettm $0x7FFFFFFF  }
0xc3: {  	_ =	shalt  }
tec
execute0_lowered:
.L_overlay_start_1:
0x0: {  	(tag) =	ssettag $0x1  }
0x1: {  	s1 =	srdreg.scid  }
0x2: {  	s0 =	stileid.u32;
	s11 =	sand.u32 $0x1, s1  }
0x3: {  	s10 =	rddreg [dreg:$0x0];
	s30 =	sshll.u32 s0, $0xA;
	s2 =	sshll.u32 s11, $0x9  }
0x4: {  	s9 =	rddreg [dreg:$0x1];
	s8 =	sor.u32 s2, s30  }
0x5: {  	s1 =	rddreg [dreg:$0x2];
	s2 =	simm.s32 $0x0;
	s12 =	sshrl.u32 s8, $0x3  }
0x6: {  	[smem:$0x7FF] =	sst s2;
	s3 =	sadd.s32 s12, s10  }
0x7: {  	_ =	strace $0x80000047;
	s4 =	sadd.s32 $0x222000, s3;
	s3 =	simm.s32 $0x2  }
0x8: {  	[tilespmem:s2], [sflag:$0x2] =	stream.linear.gather [hbm4b:s4+s2], $0x200, $0x38;
	[tilespmem:$0x10200] =	vst v63  }
0x9: {  	_ =	swait.ge [sflag:s3], $0x200  }
0xa: {  	s6 =	simm.s32 $0x200;
	[sflag:s3] =	ssyncset.done $0x0  }
0xb: {  	s7 =	simm.s32 $0x1;
	s5 =	sadd.s32 $0x2000, s10;
	[sflag:s3] =	ssyncadd.s32 $0xFFFFFE00  }
0xc: {  	[tilespmem:s6], [sflag:$0x1] =	stream.indirect.gather [hbm4b:s5+s6], $0x80, s2, s6, $0xb8;
	[tilespmem:$0x10200] =	vst v63  }
0xd: {  	s8 =	sshll.u32 s8, $0x4;
	_ =	swait.ge [sflag:s7], $0x10000  }
0xe: {  	s13 =	sadd.s32 s8, s10;
	[sflag:s7] =	ssyncset.done $0x0  }
0xf: {  	s8 =	sadd.s32 $0x222800, s13;
	[sflag:s7] =	ssyncadd.s32 $0xFFFF0000  }
0x10: {  	[hbm4b:s8+s2] =	stream.linear.scatter [tilespmem:s6], [sflag:$0x2], $0x10000, $0x38;
	[tilespmem:$0x10200] =	vst v63  }
0x11: {  	_ =	swait.ge [sflag:s3], $0x10000  }
0x12: {  	[sflag:s3] =	ssyncset.done $0x0  }
0x13: {  	s11 =	ssub.s32 $0x2, s11;
	s9 =	sadd.s32 s9, s12;
	[sflag:s3] =	ssyncadd.s32 $0xFFFF0000  }
0x14: {  	[tilespmem:s2], [sflag:$0x2] =	stream.linear.gather [hbm4b:s9+s2], $0x200, $0x38;
	[tilespmem:$0x10200] =	vst v63  }
0x15: {  	s31 =	sshrl.u32 s11, $0x1;
	_ =	swait.ge [sflag:s3], $0x200  }
0x16: {  	s12 =	ssub.s32 s11, s31;
	[sflag:s3] =	ssyncset.done $0x0  }
0x17: {  	s10 =	sadd.s32 $0x1EE000, s10;
	s12 =	smax.u32 s12, $0x1;
	[sflag:s3] =	ssyncadd.s32 $0xFFFFFE00  }
0x18: {  	[tilespmem:s6], [sflag:$0x1] =	stream.indirect.gather [hbm4b:s10+s6], $0x80, s2, s6, $0xb8;
	[tilespmem:$0x10200] =	vst v63  }
0x19: {  	p0 =	sne.s32 s12, $0x1;
	_ =	swait.ge [sflag:s7], $0x10000  }
.Ltmp0:
0x1a: {  	[sflag:s7] =	ssyncset.done $0x0;
	(pc) =	sbr.rel @!p0 .LBB2_2-.Ltmp0, $4  }
0x1b: {  	s11 =	sadd.s32 $0x262800, s13;
	[sflag:s7] =	ssyncadd.s32 $0xFFFF0000  }
0x1c: {  	[hbm4b:s11+s2] =	stream.linear.scatter [tilespmem:s6], [sflag:$0x2], $0x10000, $0x38;
	[tilespmem:$0x10200] =	vst v63  }
0x1d: {  	_ =	swait.ge [sflag:s3], $0x10000  }
0x1e: {  	s12 =	sadd.s32 $0xFFFFFFFF, s12;
	[sflag:s3] =	ssyncset.done $0x0  }
.LBB2_1:
0x1f: {  	p0 =	sne.s32 s12, $0x1;
	s12 =	sadd.s32 $0xFFFFFFFF, s12;
	[sflag:s3] =	ssyncadd.s32 $0xFFFF0000  }
0x20: {  	[tilespmem:s2], [sflag:$0x2] =	stream.linear.gather [hbm4b:s4+s2], $0x200, $0x38;
	[tilespmem:$0x10200] =	vst v63  }
0x21: {  	_ =	swait.ge [sflag:s3], $0x200  }
0x22: {  	[sflag:s3] =	ssyncset.done $0x0  }
0x23: {  	[sflag:s3] =	ssyncadd.s32 $0xFFFFFE00  }
0x24: {  	[tilespmem:s6], [sflag:$0x1] =	stream.indirect.gather [hbm4b:s5+s6], $0x80, s2, s6, $0xb8;
	[tilespmem:$0x10200] =	vst v63  }
0x25: {  	_ =	swait.ge [sflag:s7], $0x10000  }
0x26: {  	[sflag:s7] =	ssyncset.done $0x0  }
0x27: {  	[sflag:s7] =	ssyncadd.s32 $0xFFFF0000  }
0x28: {  	[hbm4b:s8+s2] =	stream.linear.scatter [tilespmem:s6], [sflag:$0x2], $0x10000, $0x38;
	[tilespmem:$0x10200] =	vst v63  }
0x29: {  	_ =	swait.ge [sflag:s3], $0x10000  }
0x2a: {  	[sflag:s3] =	ssyncset.done $0x0  }
0x2b: {  	[sflag:s3] =	ssyncadd.s32 $0xFFFF0000  }
0x2c: {  	[tilespmem:s2], [sflag:$0x2] =	stream.linear.gather [hbm4b:s9+s2], $0x200, $0x38;
	[tilespmem:$0x10200] =	vst v63  }
0x2d: {  	_ =	swait.ge [sflag:s3], $0x200  }
0x2e: {  	[sflag:s3] =	ssyncset.done $0x0  }
0x2f: {  	[sflag:s3] =	ssyncadd.s32 $0xFFFFFE00  }
0x30: {  	[tilespmem:s6], [sflag:$0x1] =	stream.indirect.gather [hbm4b:s10+s6], $0x80, s2, s6, $0xb8;
	[tilespmem:$0x10200] =	vst v63  }
0x31: {  	_ =	swait.ge [sflag:s7], $0x10000  }
.Ltmp1:
0x32: {  	[sflag:s7] =	ssyncset.done $0x0;
	(pc) =	sbr.rel @p0 .LBB2_1-.Ltmp1, $4  }
0x33: {  	[sflag:s7] =	ssyncadd.s32 $0xFFFF0000  }
0x34: {  	[hbm4b:s11+s2] =	stream.linear.scatter [tilespmem:s6], [sflag:$0x2], $0x10000, $0x38;
	[tilespmem:$0x10200] =	vst v63  }
0x35: {  	_ =	swait.ge [sflag:s3], $0x10000  }
0x36: {  	[sflag:s3] =	ssyncset.done $0x0  }
.LBB2_2:
0x37: {  	[sflag:s3] =	ssyncadd.s32 $0xFFFF0000  }
0x38: {  	_ =	sfence.sel $0x180000  }
0x39: {  	[bflag:$0x0] =	sbarrier.arrive $0xFFFF  }
0x3a: {  	p0 =	sne.s32 s0, $0x0;
	_ =	strace $0x90000047  }
0x3b: {  	s0 =	sadd.s32 @!p0 $0x100000, s1;
	[bflag:$0x2] =	sbarrier.arrive $0xFFFF  }
0x3c: {  	[sflag:s0] =	ssyncadd.tile.s32 @!p0 $0x1;
	_ =	shalt  }
.Lfunc_end2:
_tile_overlayer_lowered:
.L_overlay_start_2:
0x3d: {  	(tag) =	ssettag $0x2  }
0x3e: {  	s0 =	rddreg [dreg:$0x0];
	s2 =	stileid.u32  }
0x3f: {  	s1 =	rddreg [dreg:$0x1];
	p0 =	sne.s32 s2, $0x0  }
0x40: {  	s3 =	rddreg [dreg:$0x2];
	[bflag:$0x3] =	sbarrier.arrive $0xFFFF;
	s2 =	simm.s32 @!p0 $0x1C02  }
0x41: {  	[timem:s3], [sflag:s2] =	dma.local @!p0 [hbm:s0], s1  }
0x42: {  	s0 =	simm.s32 @!p0 $0x2  }
0x43: {  	_ =	swait.ge @!p0 [sflag:s0], s1  }
0x44: {  	s1 =	ssub.s32 @!p0 $0x0, s1;
	[sflag:s0] =	ssyncset.done @!p0 $0x0  }
0x45: {  	[sflag:s0] =	ssyncadd.s32 @!p0 s1  }
0x46: {  	[bflag:$0x3] =	sbarrier.arrive $0xFFFF  }
0x47: {  	_ =	shalt  }

</sc_bundles>
